<compile_context>
chip_gen: v7x
topology: tpu7x:2x2x1
jax: 0.10.2.dev20260603
libtpu: 0.0.44.dev20260713+nightly
codegen_flags: <defaults>
</compile_context>

<pallas_src>
import functools

import jax
import jax.numpy as jnp
from jax import lax
from jax.experimental import pallas as pl
from jax.experimental.pallas import tpu as pltpu
from jax.experimental.pallas import tpu_sc as plsc


def _cdiv(a, b):
    return (a + b - 1) // b


def _make_sc_agg(n_nodes, d, n_chunks_per_worker, nc, ns, L):
    tile_rows = _cdiv(_cdiv(n_nodes + 8, ns), 128) * 128
    r_pad = tile_rows * ns
    n_drain = tile_rows // L

    mesh = plsc.VectorSubcoreMesh(core_axis_name="c", subcore_axis_name="s")

    @functools.partial(
        pl.kernel,
        out_type=jax.ShapeDtypeStruct((nc * r_pad, d), jnp.float32),
        mesh=mesh,
        scratch_types=[
            pltpu.VMEM((n_chunks_per_worker, L), jnp.int32),
            pltpu.VMEM((n_chunks_per_worker, L), jnp.int32),
            pltpu.VMEM((L, d), jnp.float32),
            pltpu.VMEM_SHARED((r_pad, d), jnp.float32),
            pltpu.SemaphoreType.DMA,
        ],
    )
    def sc_agg(x_hbm, src_hbm, dst_hbm, zeros_hbm, out_hbm,
               src_v, dst_v, rows_v, acc_sh, sem):
        c = lax.axis_index("c")
        s = lax.axis_index("s")
        wid = s * nc + c

        pltpu.sync_copy(src_hbm.at[wid], src_v)
        pltpu.sync_copy(dst_hbm.at[wid], dst_v)

        base = s * tile_rows

        def zbody(k, carry):
            pltpu.sync_copy(zeros_hbm, acc_sh.at[pl.ds(base + k * L, L)])
            return carry

        lax.fori_loop(0, n_drain, zbody, 0)
        plsc.subcore_barrier()

        def body(j, carry):
            pltpu.async_copy(x_hbm.at[src_v.at[j]], rows_v, sem).wait()
            pltpu.sync_copy(rows_v, acc_sh.at[dst_v.at[j]], add=True)
            return carry

        lax.fori_loop(0, n_chunks_per_worker, body, 0)
        plsc.subcore_barrier()

        out_base = c * r_pad + base

        def dbody(k, carry):
            pltpu.sync_copy(acc_sh.at[pl.ds(base + k * L, L)],
                            out_hbm.at[pl.ds(out_base + k * L, L)])
            return carry

        lax.fori_loop(0, n_drain, dbody, 0)

    return sc_agg, r_pad


def _tc_combine(p, W, b, n_nodes, blk):
    d_in = W.shape[1]
    d_out = W.shape[0]

    def body(p_ref, w_ref, b_ref, o_ref):
        acc = p_ref[0] + p_ref[1]
        y = lax.dot_general(acc, w_ref[...],
                            dimension_numbers=(((1,), (1,)), ((), ())),
                            preferred_element_type=jnp.float32)
        o_ref[...] = y + b_ref[...]

    grid = n_nodes // blk
    return pl.pallas_call(
        body,
        grid=(grid,),
        in_specs=[
            pl.BlockSpec((2, blk, d_in), lambda i: (0, i, 0)),
            pl.BlockSpec((d_out, d_in), lambda i: (0, 0)),
            pl.BlockSpec((1, d_out), lambda i: (0, 0)),
        ],
        out_specs=pl.BlockSpec((blk, d_out), lambda i: (i, 0)),
        out_shape=jax.ShapeDtypeStruct((n_nodes, d_out), jnp.float32),
    )(p, W, b.reshape(1, d_out))


def kernel(x, edge_index, W, b):
    n_nodes, d = x.shape
    e = edge_index.shape[1]
    nc, ns = 2, 16
    nw = nc * ns
    L = 128
    n_chunks = _cdiv(e, nw * L)
    e_pad = n_chunks * nw * L

    sc_agg, r_pad = _make_sc_agg(n_nodes, d, n_chunks, nc, ns, L)

    src = edge_index[0].astype(jnp.int32)
    dst = edge_index[1].astype(jnp.int32)
    if e_pad > e:
        pad = e_pad - e
        src = jnp.concatenate([src, jnp.zeros((pad,), jnp.int32)])
        n_dummy = r_pad - n_nodes
        dummy = n_nodes + (jnp.arange(pad, dtype=jnp.int32) % n_dummy)
        dst = jnp.concatenate([dst, dummy])
    src3 = src.reshape(nw, n_chunks, L)
    dst3 = dst.reshape(nw, n_chunks, L)
    zeros = jnp.zeros((L, d), jnp.float32)
    partials = sc_agg(x, src3, dst3, zeros)
    p = partials.reshape(nc, r_pad, d)

    return _tc_combine(p, W, b, n_nodes, blk=1000)

# --- scband reference (transcript-rebuilt; emitter-appended) ---
"""Pipeline reference for scband-graph-conv-12120397709963 (READ-ONLY COPY).

The authoritative reference and input builder live on the scoring server;
editing this copy changes nothing except your own understanding.
"""

import jax, jax.numpy as jnp
import numpy as np

N_NODES = 10000
N_EDGES = 320000
D_IN = 128
D_OUT = 128


def setup_inputs(seed: int = 0) -> dict:
    key = jax.random.key(seed)
    k1, k2, k3, k4 = jax.random.split(key, 4)
    x = jax.random.normal(k1, (N_NODES, D_IN), dtype=jnp.float32)
    edge_index = jax.random.randint(k2, (2, N_EDGES), 0, N_NODES, dtype=jnp.int64)
    # nn.Linear(in_dim, out_dim) params: W [out, in], b [out]
    bound = 1.0 / np.sqrt(D_IN)
    W = jax.random.uniform(k3, (D_OUT, D_IN), minval=-bound, maxval=bound, dtype=jnp.float32)
    b = jax.random.uniform(k4, (D_OUT,), minval=-bound, maxval=bound, dtype=jnp.float32)
    return {"x": x, "edge_index": edge_index, "W": W, "b": b}


def reference(x, edge_index, W, b):
    # torch.sparse.mm(adj, x): adj is a sparse [N, N] matrix with 1.0 at
    # (dst, src) for each edge; equivalent to gather from src + scatter-add to dst.
    src = edge_index[0]
    dst = edge_index[1]
    gathered = jnp.take(x, src, axis=0)              # gather: [E, d_in]
    agg = jax.ops.segment_sum(gathered, dst, num_segments=x.shape[0])  # scatter-add
    # nn.Linear: agg @ W.T + b
    return agg @ W.T + b

if __name__ == "__main__":
    import jax
    _d = setup_inputs()
    print(jax.jit(kernel)(*tuple(_d.values())))

</pallas_src>

<mosaic_0001>
#map = affine_map<(d0, d1) -> (0, 0)>
#map1 = affine_map<(d0, d1) -> (0, 0, 0)>
module attributes {stable_mosaic.version = 14 : i64} {
  func.func @sc_agg(%arg0: i32, %arg1: i32, %arg2: memref<10000x128xf32, #tpu.memory_space<hbm>>, %arg3: memref<32x79x128xi32, #tpu.memory_space<hbm>>, %arg4: memref<32x79x128xi32, #tpu.memory_space<hbm>>, %arg5: memref<128x128xf32, #tpu.memory_space<hbm>>, %arg6: memref<20480x128xf32, #tpu.memory_space<hbm>>, %arg7: memref<79x128xi32, #tpu.memory_space<vmem>>, %arg8: memref<79x128xi32, #tpu.memory_space<vmem>>, %arg9: memref<128x128xf32, #tpu.memory_space<vmem>>, %arg10: memref<10240x128xf32, #tpu.memory_space<vmem_shared>>, %arg11: memref<!tpu.dma_semaphore, #tpu.memory_space<semaphore_mem>>) attributes {dimension_semantics = [#tpu.dimension_semantics<core_parallel>, #tpu.dimension_semantics<subcore_parallel>], iteration_bounds = array<i64: 2, 16>, scalar_prefetch = 0 : i64, scratch_operands = 5 : i64, tpu.core_type = #tpu.core_type<sc_vector_subcore>, window_params = [{transform_indices = #map}, {transform_indices = #map1}, {transform_indices = #map1}, {transform_indices = #map}, {transform_indices = #map}]} {
    %mul3A = arith.constant 2 : i32
    %mul3A_0 = arith.muli %arg1, %mul3A : i32
    %add3A = arith.addi %mul3A_0, %arg0 : i32
    "tpu.region"() ({
      %run_scoped3A = tpu.sem_alloc : memref<!tpu.dma_semaphore, #tpu.memory_space<semaphore_mem>>
      %dma_start3A = arith.constant 0 : i32
      %dma_start3A_24 = arith.constant 0 : i32
      %dma_start3A_25 = tpu.memref_slice %arg3[%add3A, %dma_start3A, %dma_start3A_24] : memref<32x79x128xi32, #tpu.memory_space<hbm>> -> memref<1x79x128xi32, #tpu.memory_space<hbm>>
      %dma_start3A_26 = tpu.memref_squeeze %dma_start3A_25 : memref<1x79x128xi32, #tpu.memory_space<hbm>> -> memref<79x128xi32, #tpu.memory_space<hbm>>
      %dma_start3A_27 = arith.constant 0 : i32
      %dma_start3A_28 = arith.constant 0 : i32
      %dma_start3A_29 = tpu.memref_slice %arg3[%add3A, %dma_start3A_27, %dma_start3A_28] : memref<32x79x128xi32, #tpu.memory_space<hbm>> -> memref<1x79x128xi32, #tpu.memory_space<hbm>>
      %dma_start3A_30 = tpu.memref_squeeze %dma_start3A_29 : memref<1x79x128xi32, #tpu.memory_space<hbm>> -> memref<79x128xi32, #tpu.memory_space<hbm>>
      tpu.enqueue_dma source(%dma_start3A_30 : memref<79x128xi32, #tpu.memory_space<hbm>>) target(%arg7 : memref<79x128xi32, #tpu.memory_space<vmem>>) target_semaphore(%run_scoped3A : memref<!tpu.dma_semaphore, #tpu.memory_space<semaphore_mem>>)
      %dma_wait3A = arith.constant 0 : i32
      %dma_wait3A_31 = arith.constant 0 : i32
      %dma_wait3A_32 = tpu.memref_slice %arg3[%add3A, %dma_wait3A, %dma_wait3A_31] : memref<32x79x128xi32, #tpu.memory_space<hbm>> -> memref<1x79x128xi32, #tpu.memory_space<hbm>>
      %dma_wait3A_33 = tpu.memref_squeeze %dma_wait3A_32 : memref<1x79x128xi32, #tpu.memory_space<hbm>> -> memref<79x128xi32, #tpu.memory_space<hbm>>
      %dma_wait3A_34 = arith.constant 0 : i32
      %dma_wait3A_35 = arith.constant 0 : i32
      %dma_wait3A_36 = tpu.memref_slice %arg3[%add3A, %dma_wait3A_34, %dma_wait3A_35] : memref<32x79x128xi32, #tpu.memory_space<hbm>> -> memref<1x79x128xi32, #tpu.memory_space<hbm>>
      %dma_wait3A_37 = tpu.memref_squeeze %dma_wait3A_36 : memref<1x79x128xi32, #tpu.memory_space<hbm>> -> memref<79x128xi32, #tpu.memory_space<hbm>>
      tpu.wait_dma2 semaphore(%run_scoped3A : memref<!tpu.dma_semaphore, #tpu.memory_space<semaphore_mem>>) src(%dma_wait3A_37 : memref<79x128xi32, #tpu.memory_space<hbm>>) dst(%arg7 : memref<79x128xi32, #tpu.memory_space<vmem>>)
      tpu.yield
    }) : () -> ()
    "tpu.region"() ({
      %run_scoped3A = tpu.sem_alloc : memref<!tpu.dma_semaphore, #tpu.memory_space<semaphore_mem>>
      %dma_start3A = arith.constant 0 : i32
      %dma_start3A_24 = arith.constant 0 : i32
      %dma_start3A_25 = tpu.memref_slice %arg4[%add3A, %dma_start3A, %dma_start3A_24] : memref<32x79x128xi32, #tpu.memory_space<hbm>> -> memref<1x79x128xi32, #tpu.memory_space<hbm>>
      %dma_start3A_26 = tpu.memref_squeeze %dma_start3A_25 : memref<1x79x128xi32, #tpu.memory_space<hbm>> -> memref<79x128xi32, #tpu.memory_space<hbm>>
      %dma_start3A_27 = arith.constant 0 : i32
      %dma_start3A_28 = arith.constant 0 : i32
      %dma_start3A_29 = tpu.memref_slice %arg4[%add3A, %dma_start3A_27, %dma_start3A_28] : memref<32x79x128xi32, #tpu.memory_space<hbm>> -> memref<1x79x128xi32, #tpu.memory_space<hbm>>
      %dma_start3A_30 = tpu.memref_squeeze %dma_start3A_29 : memref<1x79x128xi32, #tpu.memory_space<hbm>> -> memref<79x128xi32, #tpu.memory_space<hbm>>
      tpu.enqueue_dma source(%dma_start3A_30 : memref<79x128xi32, #tpu.memory_space<hbm>>) target(%arg8 : memref<79x128xi32, #tpu.memory_space<vmem>>) target_semaphore(%run_scoped3A : memref<!tpu.dma_semaphore, #tpu.memory_space<semaphore_mem>>)
      %dma_wait3A = arith.constant 0 : i32
      %dma_wait3A_31 = arith.constant 0 : i32
      %dma_wait3A_32 = tpu.memref_slice %arg4[%add3A, %dma_wait3A, %dma_wait3A_31] : memref<32x79x128xi32, #tpu.memory_space<hbm>> -> memref<1x79x128xi32, #tpu.memory_space<hbm>>
      %dma_wait3A_33 = tpu.memref_squeeze %dma_wait3A_32 : memref<1x79x128xi32, #tpu.memory_space<hbm>> -> memref<79x128xi32, #tpu.memory_space<hbm>>
      %dma_wait3A_34 = arith.constant 0 : i32
      %dma_wait3A_35 = arith.constant 0 : i32
      %dma_wait3A_36 = tpu.memref_slice %arg4[%add3A, %dma_wait3A_34, %dma_wait3A_35] : memref<32x79x128xi32, #tpu.memory_space<hbm>> -> memref<1x79x128xi32, #tpu.memory_space<hbm>>
      %dma_wait3A_37 = tpu.memref_squeeze %dma_wait3A_36 : memref<1x79x128xi32, #tpu.memory_space<hbm>> -> memref<79x128xi32, #tpu.memory_space<hbm>>
      tpu.wait_dma2 semaphore(%run_scoped3A : memref<!tpu.dma_semaphore, #tpu.memory_space<semaphore_mem>>) src(%dma_wait3A_37 : memref<79x128xi32, #tpu.memory_space<hbm>>) dst(%arg8 : memref<79x128xi32, #tpu.memory_space<vmem>>)
      tpu.yield
    }) : () -> ()
    %mul3A_1 = arith.constant 640 : i32
    %mul3A_2 = arith.muli %arg1, %mul3A_1 : i32
    %scan3A = arith.constant 0 : i32
    %scan3A_3 = arith.constant 0 : i32
    %scan3A_4 = arith.constant 5 : i32
    %scan3A_5 = arith.addi %scan3A_3, %scan3A_4 : i32
    %scan3A_6 = arith.constant 1 : i32
    scf.for %scan3A_24 = %scan3A_3 to %scan3A_5 step %scan3A_6  : i32 {
      %mul3A_25 = arith.constant 128 : i32
      %mul3A_26 = arith.muli %scan3A_24, %mul3A_25 : i32
      %add3A_27 = arith.addi %mul3A_2, %mul3A_26 : i32
      "tpu.region"() ({
        %run_scoped3A = tpu.sem_alloc : memref<!tpu.dma_semaphore, #tpu.memory_space<semaphore_mem>>
        %dma_start3A = arith.constant 0 : i32
        %dma_start3A_28 = tpu.memref_slice %arg10[%add3A_27, %dma_start3A] : memref<10240x128xf32, #tpu.memory_space<vmem_shared>> -> memref<128x128xf32, #tpu.memory_space<vmem_shared>>
        tpu.enqueue_dma source(%arg5 : memref<128x128xf32, #tpu.memory_space<hbm>>) target(%dma_start3A_28 : memref<128x128xf32, #tpu.memory_space<vmem_shared>>) target_semaphore(%run_scoped3A : memref<!tpu.dma_semaphore, #tpu.memory_space<semaphore_mem>>)
        %dma_wait3A = arith.constant 0 : i32
        %dma_wait3A_29 = tpu.memref_slice %arg10[%add3A_27, %dma_wait3A] : memref<10240x128xf32, #tpu.memory_space<vmem_shared>> -> memref<128x128xf32, #tpu.memory_space<vmem_shared>>
        tpu.wait_dma2 semaphore(%run_scoped3A : memref<!tpu.dma_semaphore, #tpu.memory_space<semaphore_mem>>) src(%arg5 : memref<128x128xf32, #tpu.memory_space<hbm>>) dst(%dma_wait3A_29 : memref<128x128xf32, #tpu.memory_space<vmem_shared>>)
        tpu.yield
      }) : () -> ()
    }
    %scan3A_7 = arith.constant 5 : i32
    %barrier3A = arith.constant 0 : index
    tpu.barrier barrier_id(%barrier3A)
    %scan3A_8 = arith.constant 0 : i32
    %scan3A_9 = arith.constant 0 : i32
    %scan3A_10 = arith.constant 79 : i32
    %scan3A_11 = arith.addi %scan3A_9, %scan3A_10 : i32
    %scan3A_12 = arith.constant 1 : i32
    scf.for %scan3A_24 = %scan3A_9 to %scan3A_11 step %scan3A_12  : i32 {
      %dma_start3A = arith.constant 0 : i32
      %dma_start3A_25 = tpu.memref_slice %arg7[%scan3A_24, %dma_start3A] : memref<79x128xi32, #tpu.memory_space<vmem>> -> memref<1x128xi32, #tpu.memory_space<vmem>>
      %dma_start3A_26 = tpu.memref_squeeze %dma_start3A_25 : memref<1x128xi32, #tpu.memory_space<vmem>> -> memref<128xi32, #tpu.memory_space<vmem>>
      %dma_start3A_27 = arith.constant 0 : i32
      %dma_start3A_28 = arith.constant 0 : i32
      %dma_start3A_29 = tpu.memref_slice %arg2[%dma_start3A_27, %dma_start3A_28] : memref<10000x128xf32, #tpu.memory_space<hbm>> -> memref<10000x128xf32, #tpu.memory_space<hbm>>
      tpu.enqueue_indirect_dma source(%dma_start3A_29 : memref<10000x128xf32, #tpu.memory_space<hbm>>) target(%arg9 : memref<128x128xf32, #tpu.memory_space<vmem>>) offsets(%dma_start3A_26 : memref<128xi32, #tpu.memory_space<vmem>>) semaphore(%arg11 : memref<!tpu.dma_semaphore, #tpu.memory_space<semaphore_mem>>)
      %dma_wait3A = arith.constant 0 : i32
      %dma_wait3A_30 = tpu.memref_slice %arg7[%scan3A_24, %dma_wait3A] : memref<79x128xi32, #tpu.memory_space<vmem>> -> memref<1x128xi32, #tpu.memory_space<vmem>>
      %dma_wait3A_31 = tpu.memref_squeeze %dma_wait3A_30 : memref<1x128xi32, #tpu.memory_space<vmem>> -> memref<128xi32, #tpu.memory_space<vmem>>
      %dma_wait3A_32 = arith.constant 0 : i32
      %dma_wait3A_33 = arith.constant 0 : i32
      %dma_wait3A_34 = tpu.memref_slice %arg2[%dma_wait3A_32, %dma_wait3A_33] : memref<10000x128xf32, #tpu.memory_space<hbm>> -> memref<10000x128xf32, #tpu.memory_space<hbm>>
      tpu.wait_indirect_dma semaphore(%arg11 : memref<!tpu.dma_semaphore, #tpu.memory_space<semaphore_mem>>) src(%dma_wait3A_34 : memref<10000x128xf32, #tpu.memory_space<hbm>>) dst(%arg9 : memref<128x128xf32, #tpu.memory_space<vmem>>)
      "tpu.region"() ({
        %run_scoped3A = tpu.sem_alloc : memref<!tpu.dma_semaphore, #tpu.memory_space<semaphore_mem>>
        %dma_start3A_35 = arith.constant 0 : i32
        %dma_start3A_36 = tpu.memref_slice %arg8[%scan3A_24, %dma_start3A_35] : memref<79x128xi32, #tpu.memory_space<vmem>> -> memref<1x128xi32, #tpu.memory_space<vmem>>
        %dma_start3A_37 = tpu.memref_squeeze %dma_start3A_36 : memref<1x128xi32, #tpu.memory_space<vmem>> -> memref<128xi32, #tpu.memory_space<vmem>>
        %dma_start3A_38 = arith.constant 0 : i32
        %dma_start3A_39 = arith.constant 0 : i32
        %dma_start3A_40 = tpu.memref_slice %arg10[%dma_start3A_38, %dma_start3A_39] : memref<10240x128xf32, #tpu.memory_space<vmem_shared>> -> memref<10240x128xf32, #tpu.memory_space<vmem_shared>>
        tpu.enqueue_indirect_dma source(%arg9 : memref<128x128xf32, #tpu.memory_space<vmem>>) target(%dma_start3A_40 : memref<10240x128xf32, #tpu.memory_space<vmem_shared>>) offsets(%dma_start3A_37 : memref<128xi32, #tpu.memory_space<vmem>>) semaphore(%run_scoped3A : memref<!tpu.dma_semaphore, #tpu.memory_space<semaphore_mem>>) {add = true}
        %dma_wait3A_41 = arith.constant 0 : i32
        %dma_wait3A_42 = tpu.memref_slice %arg8[%scan3A_24, %dma_wait3A_41] : memref<79x128xi32, #tpu.memory_space<vmem>> -> memref<1x128xi32, #tpu.memory_space<vmem>>
        %dma_wait3A_43 = tpu.memref_squeeze %dma_wait3A_42 : memref<1x128xi32, #tpu.memory_space<vmem>> -> memref<128xi32, #tpu.memory_space<vmem>>
        %dma_wait3A_44 = arith.constant 0 : i32
        %dma_wait3A_45 = arith.constant 0 : i32
        %dma_wait3A_46 = tpu.memref_slice %arg10[%dma_wait3A_44, %dma_wait3A_45] : memref<10240x128xf32, #tpu.memory_space<vmem_shared>> -> memref<10240x128xf32, #tpu.memory_space<vmem_shared>>
        tpu.wait_indirect_dma semaphore(%run_scoped3A : memref<!tpu.dma_semaphore, #tpu.memory_space<semaphore_mem>>) src(%arg9 : memref<128x128xf32, #tpu.memory_space<vmem>>) dst(%dma_wait3A_46 : memref<10240x128xf32, #tpu.memory_space<vmem_shared>>)
        tpu.yield
      }) : () -> ()
    }
    %scan3A_13 = arith.constant 79 : i32
    %barrier3A_14 = arith.constant 0 : index
    tpu.barrier barrier_id(%barrier3A_14)
    %mul3A_15 = arith.constant 10240 : i32
    %mul3A_16 = arith.muli %arg0, %mul3A_15 : i32
    %add3A_17 = arith.addi %mul3A_16, %mul3A_2 : i32
    %scan3A_18 = arith.constant 0 : i32
    %scan3A_19 = arith.constant 0 : i32
    %scan3A_20 = arith.constant 5 : i32
    %scan3A_21 = arith.addi %scan3A_19, %scan3A_20 : i32
    %scan3A_22 = arith.constant 1 : i32
    scf.for %scan3A_24 = %scan3A_19 to %scan3A_21 step %scan3A_22  : i32 {
      %mul3A_25 = arith.constant 128 : i32
      %mul3A_26 = arith.muli %scan3A_24, %mul3A_25 : i32
      %add3A_27 = arith.addi %mul3A_2, %mul3A_26 : i32
      %mul3A_28 = arith.constant 128 : i32
      %mul3A_29 = arith.muli %scan3A_24, %mul3A_28 : i32
      %add3A_30 = arith.addi %add3A_17, %mul3A_29 : i32
      "tpu.region"() ({
        %run_scoped3A = tpu.sem_alloc : memref<!tpu.dma_semaphore, #tpu.memory_space<semaphore_mem>>
        %dma_start3A = arith.constant 0 : i32
        %dma_start3A_31 = tpu.memref_slice %arg6[%add3A_30, %dma_start3A] : memref<20480x128xf32, #tpu.memory_space<hbm>> -> memref<128x128xf32, #tpu.memory_space<hbm>>
        %dma_start3A_32 = arith.constant 0 : i32
        %dma_start3A_33 = tpu.memref_slice %arg10[%add3A_27, %dma_start3A_32] : memref<10240x128xf32, #tpu.memory_space<vmem_shared>> -> memref<128x128xf32, #tpu.memory_space<vmem_shared>>
        tpu.enqueue_dma source(%dma_start3A_33 : memref<128x128xf32, #tpu.memory_space<vmem_shared>>) target(%dma_start3A_31 : memref<128x128xf32, #tpu.memory_space<hbm>>) target_semaphore(%run_scoped3A : memref<!tpu.dma_semaphore, #tpu.memory_space<semaphore_mem>>)
        %dma_wait3A = arith.constant 0 : i32
        %dma_wait3A_34 = tpu.memref_slice %arg6[%add3A_30, %dma_wait3A] : memref<20480x128xf32, #tpu.memory_space<hbm>> -> memref<128x128xf32, #tpu.memory_space<hbm>>
        %dma_wait3A_35 = arith.constant 0 : i32
        %dma_wait3A_36 = tpu.memref_slice %arg10[%add3A_27, %dma_wait3A_35] : memref<10240x128xf32, #tpu.memory_space<vmem_shared>> -> memref<128x128xf32, #tpu.memory_space<vmem_shared>>
        tpu.wait_dma2 semaphore(%run_scoped3A : memref<!tpu.dma_semaphore, #tpu.memory_space<semaphore_mem>>) src(%dma_wait3A_36 : memref<128x128xf32, #tpu.memory_space<vmem_shared>>) dst(%dma_wait3A_34 : memref<128x128xf32, #tpu.memory_space<hbm>>)
        tpu.yield
      }) : () -> ()
    }
    %scan3A_23 = arith.constant 5 : i32
    return
  }
}

module attributes {stable_mosaic.version = 14 : i64} {
  func.func @body(%arg0: i32, %arg1: memref<2x1000x128xf32, #tpu.memory_space<vmem>>, %arg2: memref<128x128xf32, #tpu.memory_space<vmem>>, %arg3: memref<1x128xf32, #tpu.memory_space<vmem>>, %arg4: memref<1000x128xf32, #tpu.memory_space<vmem>>) attributes {dimension_semantics = [#tpu.dimension_semantics<arbitrary>], iteration_bounds = array<i64: 10>, scalar_prefetch = 0 : i64, scratch_operands = 0 : i64, tpu.core_type = #tpu.core_type<tc>, window_params = [{transform_indices = @transform_0, window_bounds = array<i64: 2, 1000, 128>}, {pipeline_mode = #tpu.pipeline_mode<synchronous>, transform_indices = @transform_1, window_bounds = array<i64: 128, 128>}, {pipeline_mode = #tpu.pipeline_mode<synchronous>, transform_indices = @transform_2, window_bounds = array<i64: 1, 128>}, {transform_indices = @transform_3, window_bounds = array<i64: 1000, 128>}]} {
    %get3A = arith.constant 0 : index
    %get3A_0 = arith.constant 0 : index
    %get3A_1 = arith.constant 0 : index
    %get3A_2 = vector.load %arg1[%get3A, %get3A_0, %get3A_1] : memref<2x1000x128xf32, #tpu.memory_space<vmem>>, vector<1x1000x128xf32>
    %get3A_3 = vector.shape_cast %get3A_2 : vector<1x1000x128xf32> to vector<1000x128xf32>
    %get3A_4 = arith.constant 1 : index
    %get3A_5 = arith.constant 0 : index
    %get3A_6 = arith.constant 0 : index
    %get3A_7 = vector.load %arg1[%get3A_4, %get3A_5, %get3A_6] : memref<2x1000x128xf32, #tpu.memory_space<vmem>>, vector<1x1000x128xf32>
    %get3A_8 = vector.shape_cast %get3A_7 : vector<1x1000x128xf32> to vector<1000x128xf32>
    %add3A = arith.addf %get3A_3, %get3A_8 : vector<1000x128xf32>
    %get3A_9 = arith.constant 0 : index
    %get3A_10 = arith.constant 0 : index
    %get3A_11 = vector.load %arg2[%get3A_9, %get3A_10] : memref<128x128xf32, #tpu.memory_space<vmem>>, vector<128x128xf32>
    %dot_general3A = arith.constant dense<0.000000e+00> : vector<1000x128xf32>
    %dot_general3A_12 = tpu.matmul %add3A, %get3A_11, %dot_general3A {dimension_numbers = #tpu.dot_dimension_numbers<[1], [1], [0], [0], [0, 0, 1, 0], [], []>, transpose_lhs_hint = false} : vector<1000x128xf32>, vector<128x128xf32>, vector<1000x128xf32> -> vector<1000x128xf32>
    %get3A_13 = arith.constant 0 : index
    %get3A_14 = arith.constant 0 : index
    %get3A_15 = vector.load %arg3[%get3A_13, %get3A_14] : memref<1x128xf32, #tpu.memory_space<vmem>>, vector<1x128xf32>
    %add3A_16 = vector.broadcast %get3A_15 : vector<1x128xf32> to vector<1000x128xf32>
    %add3A_17 = arith.addf %dot_general3A_12, %add3A_16 : vector<1000x128xf32>
    %swap3A = arith.constant 0 : index
    %swap3A_18 = arith.constant 0 : index
    %swap3A_19 = vector.load %arg4[%swap3A, %swap3A_18] : memref<1000x128xf32, #tpu.memory_space<vmem>>, vector<1000x128xf32>
    tpu.vector_store %arg4[%swap3A, %swap3A_18], %add3A_17 {strides = array<i32>} : memref<1000x128xf32, #tpu.memory_space<vmem>>, vector<1000x128xf32>,
    return
  }
  func.func @transform_0(%arg0: i32) -> (i32, i32, i32) {
    %c0_i32 = arith.constant 0 : i32
    %c0_i32_0 = arith.constant 0 : i32
    %c0_i32_1 = arith.constant 0 : i32
    return %c0_i32, %arg0, %c0_i32_0 : i32, i32, i32
  }
  func.func @transform_1(%arg0: i32) -> (i32, i32) {
    %c0_i32 = arith.constant 0 : i32
    %c0_i32_0 = arith.constant 0 : i32
    %c0_i32_1 = arith.constant 0 : i32
    return %c0_i32, %c0_i32_0 : i32, i32
  }
  func.func @transform_2(%arg0: i32) -> (i32, i32) {
    %c0_i32 = arith.constant 0 : i32
    %c0_i32_0 = arith.constant 0 : i32
    %c0_i32_1 = arith.constant 0 : i32
    return %c0_i32, %c0_i32_0 : i32, i32
  }
  func.func @transform_3(%arg0: i32) -> (i32, i32) {
    %c0_i32 = arith.constant 0 : i32
    %c0_i32_0 = arith.constant 0 : i32
    return %arg0, %c0_i32 : i32, i32
  }
}

</mosaic_0001>

<sc_bundles>
// kernel: kernel.4.cloned.1.call-start
scs
__scs_entry_jumppad:
0x0: {  	(pc) =	sbr.rel $0x88, $3  }
0x1: {  	(tag) =	ssettag $0x0;
	lr =	simm.s32 $0x1  }
0x2: {  	[smem:$0x3F9D] =	sst lr;
	_ =	strace $0xD0000000  }
0x3: {  	_ = 	snop  }
0x4: {  	_ = 	snop  }
0x5: {  	_ = 	snop  }
0x6: {  	_ = 	snop  }
0x7: {  	_ = 	snop  }
__scs_overlays_trampoline_lowered:
0x8: {  	[smem:$0x3FAC] =	sst s0  }
0x9: {  	[smem:$0x3FAD] =	sst s1  }
0xa: {  	[smem:$0x3FAE] =	sst s2  }
0xb: {  	[smem:$0x3FAF] =	sst s3  }
0xc: {  	[smem:$0x3FB0] =	sst s4  }
0xd: {  	[smem:$0x3FB1] =	sst s5  }
0xe: {  	[smem:$0x3FB2] =	sst s6  }
0xf: {  	[smem:$0x3FB3] =	sst s7  }
0x10: {  	[smem:$0x3FB4] =	sst s8  }
0x11: {  	[smem:$0x3FB5] =	sst s9;
	s0 =	simm.s32 @!p0 $0x0  }
0x12: {  	s1 =	sld [smem:$0x3F9B];
	s0 =	simm.s32 @p0 $0x1  }
0x13: {  	[smem:$0x3FB6] =	sst s0;
	s0 =	simm.s32 @!p1 $0x0  }
0x14: {  	s2 =	sld [smem:$0x3F9A];
	s0 =	simm.s32 @p1 $0x1  }
0x15: {  	[smem:$0x3FB7] =	sst s0;
	s0 =	simm.s32 @!p2 $0x0  }
0x16: {  	s3 =	sld [smem:$0x3FDB];
	s0 =	simm.s32 @p2 $0x1  }
0x17: {  	s4 =	simm.s32 $0x1BF5;
	[smem:$0x3FB9] =	sst s0  }
0x18: {  	s0 =	sld [smem:$0x3F9C];
	_ =	swait.ge [sflag:s4], $0x0  }
0x19: {  	s7 =	sld [smem:$0x3F9D]  }
0x1a: {  	s8 =	sadd.s32 $0xFFFFE003, lr  }
0x1b: {  	s9 =	sadd.s32 $0xFFFFFEF7, lr;
	s5 =	simm.s32 $0xFFFFFFFF;
	p2 =	slt.u32 s8, $0xFFFFF086  }
0x1c: {  	p1 =	slt.u32 s9, $0xF7A;
	s5 =	simm.s32 @!p2 $0x0  }
0x1d: {  	s5 =	simm.s32 @p1 $0x1;
	p0 =	seq.s32 s7, s2  }
0x1e: {  	s7 =	smul.u32 @!p0 $0xF7A, s2;
	p2 =	seq.s32 @!p0 s5, $0x0  }
0x1f: {  	s9 =	smul.u32 $0xF7A, s1;
	s8 =	simm.s32 @!p0 $0x1BF5;
	p2 =	por !p2, p0  }
0x20: {  	[sflag:s8] =	ssyncset.s32 @!p0 $0xFFFFF086;
	s6 =	sadd.s32 @!p0 s3, s7;
	s7 =	simm.s32 @!p0 $0x108  }
0x21: {  	s3 =	sadd.s32 s3, s9;
	s6 =	sadd.s32 @!p0 $0x88, s6;
	s7 =	simm.s32 @p2 $0x1082  }
0x22: {  	[simem:s7], [sflag:s8] =	dma.local @!p0 [hbm:s6], $0xF7A  }
0x23: {  	s9 =	sor.u32 $0xD0000000, s2;
	s6 =	simm.s32 $0x108;
	_ =	swait.ge @!p0 [sflag:s8], $0x0  }
0x24: {  	s3 =	sadd.s32 $0x88, s3;
	s6 =	simm.s32 @!p1 $0x1082;
	[sflag:s4] =	ssyncset.s32 $0xFFFFF086  }
0x25: {  	[simem:s6], [sflag:s4] =	dma.local [hbm:s3], $0xF7A  }
0x26: {  	[smem:$0x3F9D] =	sst s1;
	(tag) =	ssettag s2;
	_ =	strace s9  }
0x27: {  	s1 =	sld [smem:$0x3FAD]  }
0x28: {  	s2 =	sld [smem:$0x3FAE]  }
0x29: {  	s4 =	sld [smem:$0x3FB0]  }
0x2a: {  	p0 =	seq.s32 s5, $0x0;
	s5 =	sld [smem:$0x3FB1]  }
0x2b: {  	s6 =	sld [smem:$0x3FB2]  }
0x2c: {  	s7 =	sld [smem:$0x3FB3]  }
0x2d: {  	s3 =	simm.s32 $0x108;
	s8 =	sld [smem:$0x3FB4]  }
0x2e: {  	s3 =	simm.s32 @!p0 $0x1082;
	s9 =	sld [smem:$0x3FB5]  }
0x2f: {  	lr =	sadd.s32 s0, s3;
	s0 =	sld [smem:$0x3FAC]  }
0x30: {  	s3 =	sld [smem:$0x3FAF]  }
0x31: {  	[smem:$0x3FB8] =	sst s10  }
0x32: {  	s10 =	sld [smem:$0x3FB6];
	_ =	sdelay $0x3  }
0x33: {  	p0 =	seq.s32 s10, $0x1;
	s10 =	sld [smem:$0x3FB8];
	_ =	sdelay $0x3  }
0x34: {  	[smem:$0x3FB8] =	sst s10  }
0x35: {  	s10 =	sld [smem:$0x3FB7];
	_ =	sdelay $0x3  }
0x36: {  	p1 =	seq.s32 s10, $0x1;
	s10 =	sld [smem:$0x3FB8];
	_ =	sdelay $0x3  }
0x37: {  	[smem:$0x3FB8] =	sst s10  }
0x38: {  	s10 =	sld [smem:$0x3FB9]  }
0x39: {  	_ = 	snop;
	(pc) =	sbr.ind lr, $3  }
0x3a: {  	_ = 	snop  }
0x3b: {  	_ = 	snop  }
0x3c: {  	p2 =	seq.s32 s10, $0x1;
	s10 =	sld [smem:$0x3FB8]  }
0x3d: {  	_ =	shalt  }
0x3e: {  	_ =	shalt  }
0x3f: {  	_ =	shalt  }
0x40: {  	_ =	shalt  }
0x41: {  	_ =	shalt  }
0x42: {  	_ =	shalt  }
0x43: {  	_ =	shalt  }
0x44: {  	_ =	shalt  }
0x45: {  	_ =	shalt  }
0x46: {  	_ =	shalt  }
0x47: {  	_ =	shalt  }
0x48: {  	_ =	shalt  }
0x49: {  	_ =	shalt  }
0x4a: {  	_ =	shalt  }
0x4b: {  	_ =	shalt  }
0x4c: {  	_ =	shalt  }
0x4d: {  	_ =	shalt  }
0x4e: {  	_ =	shalt  }
0x4f: {  	_ =	shalt  }
0x50: {  	_ =	shalt  }
0x51: {  	_ =	shalt  }
0x52: {  	_ =	shalt  }
0x53: {  	_ =	shalt  }
0x54: {  	_ =	shalt  }
0x55: {  	_ =	shalt  }
0x56: {  	_ =	shalt  }
0x57: {  	_ =	shalt  }
0x58: {  	_ =	shalt  }
0x59: {  	_ =	shalt  }
0x5a: {  	_ =	shalt  }
0x5b: {  	_ =	shalt  }
0x5c: {  	_ =	shalt  }
0x5d: {  	_ =	shalt  }
0x5e: {  	_ =	shalt  }
0x5f: {  	_ =	shalt  }
0x60: {  	_ =	shalt  }
0x61: {  	_ =	shalt  }
0x62: {  	_ =	shalt  }
0x63: {  	_ =	shalt  }
0x64: {  	_ =	shalt  }
0x65: {  	_ =	shalt  }
0x66: {  	_ =	shalt  }
0x67: {  	_ =	shalt  }
0x68: {  	_ =	shalt  }
0x69: {  	_ =	shalt  }
0x6a: {  	_ =	shalt  }
0x6b: {  	_ =	shalt  }
0x6c: {  	_ =	shalt  }
0x6d: {  	_ =	shalt  }
0x6e: {  	_ =	shalt  }
0x6f: {  	_ =	shalt  }
0x70: {  	_ =	shalt  }
0x71: {  	_ =	shalt  }
0x72: {  	_ =	shalt  }
0x73: {  	_ =	shalt  }
0x74: {  	_ =	shalt  }
0x75: {  	_ =	shalt  }
0x76: {  	_ =	shalt  }
0x77: {  	_ =	shalt  }
0x78: {  	_ =	shalt  }
0x79: {  	_ =	shalt  }
0x7a: {  	_ =	shalt  }
0x7b: {  	_ =	shalt  }
0x7c: {  	_ =	shalt  }
0x7d: {  	_ =	shalt  }
0x7e: {  	_ =	shalt  }
0x7f: {  	_ =	shalt  }
0x80: {  	_ =	shalt  }
0x81: {  	_ =	shalt  }
0x82: {  	_ =	shalt  }
0x83: {  	_ =	shalt  }
0x84: {  	_ =	shalt  }
0x85: {  	_ =	shalt  }
0x86: {  	_ =	shalt  }
0x87: {  	_ =	shalt  }
.Lfunc_end0:
.L_simem_size_0:
called_computation_lowered:
.L_overlay_start_0:
0x88: {  	s2 =	sld [smem:$0x3FD9]  }
0x89: {  	s3 =	sld [smem:$0x3FFE];
	_ =	sdelay $0x1  }
0x8a: {  	s1 =	srdreg.scid  }
0x8b: {  	s0 =	sand.u32 $0x1, s1  }
0x8c: {  	s17 =	sshll.u32 s0, $0xA;
	s2 =	sadd.s32 s3, s2  }
0x8d: {  	s2 =	sadd.s32 s2, s17  }
0x8e: {  	[smem:$0x3FC4] =	sst s2  }
0x8f: {  	_ = 	snop  }
0x90: {  	s2 =	sld [smem:$0x3FC9]  }
0x91: {  	s18 =	sld [smem:$0x3FD0];
	(tm) =	ssettm $0x1  }
0x92: {  	s4 =	sld [smem:$0x3FFB];
	_ =	sdelay $0x3  }
0x93: {  	_ =	strace s4  }
0x94: {  	s4 =	sld [smem:$0x3FFC];
	_ =	sdelay $0x3  }
0x95: {  	_ =	strace s4  }
0x96: {  	s4 =	sld [smem:$0x3FFD];
	_ =	sdelay $0x3  }
0x97: {  	_ =	strace s4  }
0x98: {  	_ =	strace $0x8FFFFFFF  }
0x99: {  	s19 =	sld [smem:$0x3FDB];
	_ =	sdelay $0x1  }
0x9a: {  	s5 =	simm.s32 $_scs_section_size  }
0x9b: {  	s6 =	simm.s32 $_size__tile_overlayer_lowered;
	s7 =	simm.s32 $_tile_overlayer_lowered  }
0x9c: {  	s22 =	simm.s32 $0x1BFF;
	s21 =	sshll.u32 s7, $0x1;
	s4 =	sadd.s32 s5, s19  }
0x9d: {  	s8 =	simm.s32 $0x0;
	s20 =	sshll.u32 s6, $0x1;
	s6 =	sadd.s32 s21, s4  }
0x9e: {  	[timem:s8], [sflag:s22] =	dma.local [hbm:s6], s20  }
0x9f: {  	_ =	swait.ge [sflag:s22], s20  }
0xa0: {  	s5 =	ssub.s32 $0x0, s20;
	[sflag:s22] =	ssyncset.done $0x0  }
0xa1: {  	[sflag:s22] =	ssyncadd.s32 s5;
	_ =	sdelay $0x1  }
0xa2: {  	s23 =	simm.s32 $0x1B8B  }
0xa3: {  	_ =	swait.ge [sflag:s23], $0x1  }
0xa4: {  	[sflag:s23] =	ssyncset.done $0x0  }
0xa5: {  	s25 =	simm.s32 $0x1B8E;
	s24 =	sld [smem:$0x3FFE];
	[sflag:s23] =	ssyncadd.s32 $0xFFFFFFFF  }
0xa6: {  	s26 =	simm.s32 $execute0_lowered;
	[smem:$0x3FD2] =	sst s25  }
0xa7: {  	s6 =	sshll.u32 s26, $0x1;
	_ =	strace $0x80000046;
	[dreg:$0x1] =	wrdreg $0xFFFFFFFF  }
0xa8: {  	s28 =	simm.s32 $_size_execute0_lowered;
	s4 =	sadd.s32 s4, s6;
	[dreg:$0x0] =	wrdreg $0x0  }
0xa9: {  	s6 =	sshll.u32 s28, $0x1;
	[dreg:$0x2] =	wrdreg s4  }
0xaa: {  	[dreg:$0x3] =	wrdreg s6  }
0xab: {  	[dreg:$0x4] =	wrdreg $0xC0  }
0xac: {  	_ =	task [dreg:s8], $0x5FFFF  }
0xad: {  	[dreg:$0x1] =	wrdreg $0xFFFFFFFF  }
0xae: {  	[dreg:$0x0] =	wrdreg $0x60  }
0xaf: {  	[dreg:$0x2] =	wrdreg s2  }
0xb0: {  	[dreg:$0x3] =	wrdreg s18  }
0xb1: {  	[dreg:$0x4] =	wrdreg s24  }
0xb2: {  	[dreg:$0x5] =	wrdreg $0x90000  }
0xb3: {  	[dreg:$0x6] =	wrdreg $0x9  }
0xb4: {  	_ =	task.clear_ibuf [dreg:s8], $0x7FFFF;
	_ =	strace $0x90000046  }
0xb5: {  	s29 =	simm.s32 $0x9;
	_ =	strace $0x80000048  }
0xb6: {  	_ =	swait.ge [sflag:s29], $0x1  }
0xb7: {  	[sflag:s29] =	ssyncadd.s32 $0xFFFFFFFF  }
0xb8: {  	_ =	strace $0x90000048  }
0xb9: {  	_ =	sfence  }
0xba: {  	s30 =	sld [smem:$0x0];
	_ =	sdelay $0x2  }
0xbb: {  	s31 =	sshll.u32 s1, $0xD;
	s1 =	sshrl.u32 s1, $0x2  }
0xbc: {  	s3 =	sand.u32 $0x4000, s31;
	s1 =	sadd.s32 s1, s30  }
0xbd: {  	s0 =	sor.u32 s3, s0;
	s1 =	sshll.u32 s1, $0x11  }
0xbe: {  	s0 =	sor.u32 s1, s0  }
0xbf: {  	s0 =	sadd.s32 $0x8F2B, s0  }
0xc0: {  	[sflag:s0] =	ssyncadd.remote.s32 $0x1  }
0xc1: {  	_ =	sfence.sel $0xFFFF  }
0xc2: {  	[dreg:$0x0] =	wrdreg $0xFFFFFFFF;
	(pc) =	sbr.abs _section_cstart, $3  }
0xc3: {  	[dreg:$0x1] =	wrdreg $0xFFFFFFFF  }
0xc4: {  	_ =	task.clear_ibuf [dreg:s8], $0x2FFFF;
	_ =	strace $0x9FFFFFFF  }
0xc5: {  	(tm) =	ssettm $0x7FFFFFFF  }
tec
execute0_lowered:
.L_overlay_start_1:
0x0: {  	(tag) =	ssettag $0x1  }
0x1: {  	s1 =	rddreg [dreg:$0x0]  }
0x2: {  	s6 =	rddreg [dreg:$0x1]  }
0x3: {  	s2 =	srdreg.scid;
	s7 =	rddreg [dreg:$0x2]  }
0x4: {  	s0 =	stileid.u32;
	s3 =	rddreg [dreg:$0x3]  }
0x5: {  	s4 =	simm.s32 $0x0;
	s15 =	simm.s32 $0x2;
	s16 =	simm.s32 $0x2800  }
0x6: {  	s22 =	simm.s32 $0x80;
	s23 =	simm.s32 $0x5000;
	s24 =	simm.s32 $0x1  }
0x7: {  	s25 =	simm.s32 $0x0;
	s5 =	sand.u32 $0x1, s2;
	s9 =	smul.u32 $0x280, s0  }
0x8: {  	s26 =	sshll.u32 s0, $0x1;
	[smem:$0x7FF] =	sst s4;
	s12 =	smul.u32 $0x50000, s0  }
0x9: {  	s17 =	sshll.u32 s0, $0x6;
	s2 =	sor.u32 s5, s26;
	s10 =	smul.u32 $0x2800, s5  }
0xa: {  	s28 =	ssub.s32 $0x2, s5;
	s5 =	sadd.s32 $0xA200, s7;
	s17 =	sor.u32 $0x1C02, s17  }
0xb: {  	s8 =	smul.u32 $0x500, s2;
	s2 =	rddreg [dreg:$0x4];
	_ =	strace $0x80000047  }
0xc: {  	s29 =	sshrl.u32 s28, $0x1;
	s31 =	sshrl.u32 s12, $0x2;
	s9 =	sadd.s32 s9, s10  }
0xd: {  	s30 =	ssub.s32 s28, s29;
	s18 =	sadd.s32 s31, s3;
	s11 =	sadd.s32 s8, s7  }
0xe: {  	s9 =	sshll.u32 s9, $0x4;
	s6 =	sadd.s32 s6, s8;
	s19 =	sadd.s32 $0x4000, s18  }
0xf: {  	s20 =	sadd.s32 $0x8000, s18;
	s21 =	sadd.s32 $0xC000, s18;
	s10 =	sadd.s32 $0x10000, s18  }
0x10: {  	s18 =	sshrl.u32 s18, $0x3;
	s14 =	sadd.s32 s9, s7;
	s7 =	sadd.s32 $0x200, s11  }
0x11: {  	s9 =	smax.u32 s30, $0x1;
	s19 =	sshrl.u32 s19, $0x3;
	s20 =	sshrl.u32 s20, $0x3  }
0x12: {  	s21 =	sshrl.u32 s21, $0x3;
	s8 =	sadd.s32 $0xAA00, s14;
	s11 =	sadd.s32 $0xB200, s14  }
0x13: {  	s12 =	sadd.s32 $0xBA00, s14;
	s13 =	sadd.s32 $0xC200, s14;
	s14 =	sadd.s32 $0xCA00, s14  }
.LBB2_1:
0x14: {  	[tilespmem:s4], [sflag:$0x2] =	stream.linear.gather [hbm4b:s6+s4], $0x2780, $0x38;
	[tilespmem:$0x1D000] =	vst v63  }
0x15: {  	_ =	swait.ge [sflag:s15], $0x2780  }
0x16: {  	[sflag:s15] =	ssyncset.done $0x0  }
0x17: {  	[sflag:s15] =	ssyncadd.s32 $0xFFFFD880  }
0x18: {  	[tilespmem:s16], [sflag:$0x2] =	stream.linear.gather [hbm4b:s7+s4], $0x2780, $0x38;
	[tilespmem:$0x1D000] =	vst v63  }
0x19: {  	_ =	swait.ge [sflag:s15], $0x2780  }
0x1a: {  	[sflag:s15] =	ssyncset.done $0x0  }
0x1b: {  	[sflag:s15] =	ssyncadd.s32 $0xFFFFD880  }
0x1c: {  	[spmem:s18], [sflag:s17] =	dma.local [hbm:s5], $0x800  }
0x1d: {  	_ =	swait.ge [sflag:s15], $0x800  }
0x1e: {  	[sflag:s15] =	ssyncset.done $0x0  }
0x1f: {  	[sflag:s15] =	ssyncadd.s32 $0xFFFFF800  }
0x20: {  	[spmem:s19], [sflag:s17] =	dma.local [hbm:s5], $0x800  }
0x21: {  	_ =	swait.ge [sflag:s15], $0x800  }
0x22: {  	[sflag:s15] =	ssyncset.done $0x0  }
0x23: {  	[sflag:s15] =	ssyncadd.s32 $0xFFFFF800  }
0x24: {  	[spmem:s20], [sflag:s17] =	dma.local [hbm:s5], $0x800  }
0x25: {  	_ =	swait.ge [sflag:s15], $0x800  }
0x26: {  	[sflag:s15] =	ssyncset.done $0x0  }
0x27: {  	[sflag:s15] =	ssyncadd.s32 $0xFFFFF800  }
0x28: {  	[spmem:s21], [sflag:s17] =	dma.local [hbm:s5], $0x800  }
0x29: {  	_ =	swait.ge [sflag:s15], $0x800  }
0x2a: {  	[sflag:s15] =	ssyncset.done $0x0  }
0x2b: {  	s26 =	sshrl.u32 s10, $0x3;
	[sflag:s15] =	ssyncadd.s32 $0xFFFFF800  }
0x2c: {  	[spmem:s26], [sflag:s17] =	dma.local [hbm:s5], $0x800  }
0x2d: {  	_ =	swait.ge [sflag:s15], $0x800  }
0x2e: {  	[sflag:s15] =	ssyncset.done $0x0  }
0x2f: {  	[sflag:s15] =	ssyncadd.s32 $0xFFFFF800  }
0x30: {  	s28 =	simm.s32 $0x0;
	[bflag:$0x0] =	sbarrier.arrive $0xFFFF  }
0x31: {  	[tilespmem:s23], [sflag:$0x1] =	stream.indirect.gather [hbm4b:s1+s22], $0x80, s28, s22, $0xb8;
	[tilespmem:$0x1D000] =	vst v63  }
0x32: {  	_ =	swait.ge [sflag:s24], $0x4000  }
0x33: {  	[sflag:s24] =	ssyncset.done $0x0  }
0x34: {  	s28 =	simm.s32 $0x2800;
	[sflag:s24] =	ssyncadd.s32 $0xFFFFC000  }
0x35: {  	[spmem:s3] =	stream.indirect.scatter.add.f32 [tilespmem:s23], [sflag:$0x2], $0x80, s28, s22, $0xb8;
	[tilespmem:$0x1D000] =	vst v63  }
0x36: {  	_ =	swait.ge [sflag:s15], $0x4000  }
0x37: {  	s29 =	simm.s32 $0x400;
	s28 =	simm.s32 $0x200;
	[sflag:s15] =	ssyncset.done $0x0  }
.LBB2_2:
0x38: {  	s30 =	sshra.s32 s28, $0x2  }
0x39: {  	[sflag:s15] =	ssyncadd.s32 $0xFFFFC000;
	s28 =	smov.u32 s29;
	s31 =	sadd.s32 $0x200, s29  }
0x3a: {  	[tilespmem:s23], [sflag:$0x1] =	stream.indirect.gather [hbm4b:s1+s22], $0x80, s30, s22, $0xb8;
	[tilespmem:$0x1D000] =	vst v63  }
0x3b: {  	p0 =	sne.s32 s29, $0x9C00;
	_ =	swait.ge [sflag:s24], $0x4000  }
.Ltmp0:
0x3c: {  	[sflag:s24] =	ssyncset.done $0x0;
	(pc) =	sbr.rel @p0 .LBB2_2-.Ltmp0, $4  }
0x3d: {  	s29 =	sadd.s32 $0x2800, s30;
	[sflag:s24] =	ssyncadd.s32 $0xFFFFC000  }
0x3e: {  	[spmem:s3] =	stream.indirect.scatter.add.f32 [tilespmem:s23], [sflag:$0x2], $0x80, s29, s22, $0xb8;
	[tilespmem:$0x1D000] =	vst v63  }
0x3f: {  	_ =	swait.ge [sflag:s15], $0x4000  }
0x40: {  	s29 =	smov.u32 s31;
	[sflag:s15] =	ssyncset.done $0x0  }
0x41: {  	s28 =	sshra.s32 s28, $0x2;
	[sflag:s15] =	ssyncadd.s32 $0xFFFFC000  }
0x42: {  	[tilespmem:s23], [sflag:$0x1] =	stream.indirect.gather [hbm4b:s1+s22], $0x80, s28, s22, $0xb8;
	[tilespmem:$0x1D000] =	vst v63  }
0x43: {  	_ =	swait.ge [sflag:s24], $0x4000  }
0x44: {  	[sflag:s24] =	ssyncset.done $0x0  }
0x45: {  	s28 =	sadd.s32 $0x2800, s28;
	[sflag:s24] =	ssyncadd.s32 $0xFFFFC000  }
0x46: {  	[spmem:s3] =	stream.indirect.scatter.add.f32 [tilespmem:s23], [sflag:$0x2], $0x80, s28, s22, $0xb8;
	[tilespmem:$0x1D000] =	vst v63  }
0x47: {  	_ =	swait.ge [sflag:s15], $0x4000  }
0x48: {  	[sflag:s15] =	ssyncset.done $0x0  }
0x49: {  	[sflag:s15] =	ssyncadd.s32 $0xFFFFC000  }
0x4a: {  	[bflag:$0x0] =	sbarrier.arrive $0xFFFF  }
0x4b: {  	[hbm:s8], [sflag:s17] =	dma.local [spmem:s18], $0x800  }
0x4c: {  	_ =	swait.ge [sflag:s15], $0x800  }
0x4d: {  	[sflag:s15] =	ssyncset.done $0x0  }
0x4e: {  	[sflag:s15] =	ssyncadd.s32 $0xFFFFF800  }
0x4f: {  	[hbm:s11], [sflag:s17] =	dma.local [spmem:s19], $0x800  }
0x50: {  	_ =	swait.ge [sflag:s15], $0x800  }
0x51: {  	[sflag:s15] =	ssyncset.done $0x0  }
0x52: {  	[sflag:s15] =	ssyncadd.s32 $0xFFFFF800  }
0x53: {  	[hbm:s12], [sflag:s17] =	dma.local [spmem:s20], $0x800  }
0x54: {  	_ =	swait.ge [sflag:s15], $0x800  }
0x55: {  	[sflag:s15] =	ssyncset.done $0x0  }
0x56: {  	[sflag:s15] =	ssyncadd.s32 $0xFFFFF800  }
0x57: {  	[hbm:s13], [sflag:s17] =	dma.local [spmem:s21], $0x800  }
0x58: {  	s25 =	sadd.s32 $0x1, s25;
	_ =	swait.ge [sflag:s15], $0x800  }
0x59: {  	p0 =	sne.s32 s25, s9;
	[sflag:s15] =	ssyncset.done $0x0  }
.Ltmp1:
0x5a: {  	[sflag:s15] =	ssyncadd.s32 $0xFFFFF800;
	(pc) =	sbr.rel @p0 .LBB2_1-.Ltmp1, $4  }
0x5b: {  	[hbm:s14], [sflag:s17] =	dma.local [spmem:s26], $0x800  }
0x5c: {  	_ =	swait.ge [sflag:s15], $0x800  }
0x5d: {  	[sflag:s15] =	ssyncset.done $0x0  }
0x5e: {  	[sflag:s15] =	ssyncadd.s32 $0xFFFFF800  }
0x5f: {  	_ =	sfence.sel $0x180000  }
0x60: {  	[bflag:$0x0] =	sbarrier.arrive $0xFFFF  }
0x61: {  	p0 =	sne.s32 s0, $0x0;
	_ =	strace $0x90000047  }
0x62: {  	s0 =	sadd.s32 @!p0 $0x100000, s2;
	[bflag:$0x2] =	sbarrier.arrive $0xFFFF  }
0x63: {  	[sflag:s0] =	ssyncadd.tile.s32 @!p0 $0x1;
	_ =	shalt  }
.Lfunc_end2:
_tile_overlayer_lowered:
.L_overlay_start_2:
0x64: {  	(tag) =	ssettag $0x2  }
0x65: {  	s0 =	rddreg [dreg:$0x0];
	s2 =	stileid.u32  }
0x66: {  	s1 =	rddreg [dreg:$0x1];
	p0 =	sne.s32 s2, $0x0  }
0x67: {  	s3 =	rddreg [dreg:$0x2];
	[bflag:$0x3] =	sbarrier.arrive $0xFFFF;
	s2 =	simm.s32 @!p0 $0x1C02  }
0x68: {  	[timem:s3], [sflag:s2] =	dma.local @!p0 [hbm:s0], s1  }
0x69: {  	s0 =	simm.s32 @!p0 $0x2  }
0x6a: {  	_ =	swait.ge @!p0 [sflag:s0], s1  }
0x6b: {  	s1 =	ssub.s32 @!p0 $0x0, s1;
	[sflag:s0] =	ssyncset.done @!p0 $0x0  }
0x6c: {  	[sflag:s0] =	ssyncadd.s32 @!p0 s1  }
0x6d: {  	[bflag:$0x3] =	sbarrier.arrive $0xFFFF  }
0x6e: {  	_ =	shalt  }

</sc_bundles>
